<compile_context>
chip_gen: v7x
topology: tpu7x:2x2x1
jax: 0.10.2.dev20260603
libtpu: 0.0.44.dev20260713+nightly
codegen_flags: <defaults>
</compile_context>

<pallas_src>
import functools

import jax
import jax.numpy as jnp
from jax import lax
from jax.experimental import pallas as pl
from jax.experimental.pallas import tpu as pltpu
from jax.experimental.pallas import tpu_sc as plsc



def _dense_body(x_ref, mask_ref, y_ref, W1_ref, b1_ref, W2_ref, b2_ref,
                Wx_ref, bx_ref, Wab_ref, c_ref, ymu_ref, a_ref, b_ref):
    xb = x_ref[...]
    h = jnp.maximum(
        jnp.dot(xb, W1_ref[...], preferred_element_type=jnp.float32)
        + b1_ref[...], 0.0)
    y_mlp = (jnp.dot(h, W2_ref[...], preferred_element_type=jnp.float32)
             + b2_ref[...])
    ymu = jnp.where(mask_ref[...] > 0.5, y_ref[...], y_mlp)
    xe = jnp.maximum(
        jnp.dot(xb, Wx_ref[...], preferred_element_type=jnp.float32)
        + bx_ref[...], 0.0)
    ab = jnp.dot(xe, Wab_ref[...], preferred_element_type=jnp.float32)
    ymu_ref[...] = ymu
    a_ref[...] = ab[:, 0:1] + c_ref[0:1, 0:1] * ymu + c_ref[0:1, 2:3]
    b_ref[...] = ab[:, 1:2] + c_ref[0:1, 1:2] * ymu


def _dense(x, mask_f, y2, W1, b1r, W2, b2r, Wx, bxr, Wab, c):
    n, d = x.shape
    hs = W1.shape[1]
    hx = Wx.shape[1]
    bn = 2000
    grid = (n // bn,)
    full = lambda shape: pl.BlockSpec(shape, lambda i: (0, 0))
    row = lambda w: pl.BlockSpec((bn, w), lambda i: (i, 0))
    out_t = jax.ShapeDtypeStruct((n, 1), jnp.float32)
    return pl.pallas_call(
        _dense_body,
        grid=grid,
        in_specs=[row(d), row(1), row(1), full((d, hs)), full((1, hs)),
                  full((hs, 1)), full((1, 1)), full((d, hx)), full((1, hx)),
                  full((hx, 2)), full((1, 4))],
        out_specs=[row(1), row(1), row(1)],
        out_shape=[out_t, out_t, out_t],
    )(x, mask_f, y2, W1, b1r, W2, b2r, Wx, bxr, Wab, c)



_NC = 2
_NS = 16
_L = 16


def _make_edge_kernel(n2, epad):
    ch = epad // (_NC * _NS)
    mesh = plsc.VectorSubcoreMesh(core_axis_name="c", subcore_axis_name="s")

    @functools.partial(
        pl.kernel, mesh=mesh,
        compiler_params=pltpu.CompilerParams(needs_layout_passes=False),
        out_type=jax.ShapeDtypeStruct((epad,), jnp.float32),
        scratch_types=[
            pltpu.VMEM((ch,), jnp.int32),
            pltpu.VMEM((ch,), jnp.int32),
            pltpu.VMEM((n2,), jnp.float32),
            pltpu.VMEM((ch,), jnp.float32),
            pltpu.SemaphoreType.DMA,
        ],
    )
    def edge_kernel(t_hbm, src_hbm, dst_hbm, out_hbm,
                    src_v, dst_v, t_v, out_v, sem):
        wid = lax.axis_index("s") * _NC + lax.axis_index("c")
        base = wid * ch
        c1 = pltpu.async_copy(src_hbm.at[pl.ds(base, ch)], src_v, sem)
        c2 = pltpu.async_copy(dst_hbm.at[pl.ds(base, ch)], dst_v, sem)
        c3 = pltpu.async_copy(t_hbm, t_v, sem)
        c1.wait()
        c2.wait()
        c3.wait()

        def body(i, carry):
            off = i * _L
            ia = src_v[pl.ds(off, _L)]
            ib = dst_v[pl.ds(off, _L)]
            va = plsc.load_gather(t_v, [ia])
            vb = plsc.load_gather(t_v, [ib])
            out_v[pl.ds(off, _L)] = va + vb
            return carry

        lax.fori_loop(0, ch // _L, body, 0, unroll=4)
        pltpu.sync_copy(out_v, out_hbm.at[pl.ds(base, ch)])

    return edge_kernel



def kernel(x, edge_index, train_mask, y, W1, b1, W2, b2, Wx, bx, We, be):
    n, d = x.shape
    hx = Wx.shape[1]
    e = edge_index.shape[1]

    mask_f = train_mask.astype(jnp.float32)[:, None]
    y2 = y[:, None]
    b1r = b1[None, :]
    b2r = b2[None, :]
    bxr = bx[None, :]
    Wab = jnp.concatenate([We[:hx], We[hx:2 * hx]], axis=1)
    c = jnp.stack([We[2 * hx, 0], We[2 * hx + 1, 0], be[0],
                   jnp.float32(0.0)]).reshape(1, 4)

    ymu, a_n, b_n = _dense(x, mask_f, y2, W1, b1r, W2, b2r, Wx, bxr, Wab, c)

    quant = _NC * _NS * _L
    epad = ((e + quant - 1) // quant) * quant
    src = edge_index[0].astype(jnp.int32)
    dst = edge_index[1].astype(jnp.int32) + n
    if epad != e:
        src = jnp.pad(src, (0, epad - e))
        dst = jnp.pad(dst, (0, epad - e))

    t = jnp.concatenate([a_n.reshape(-1), b_n.reshape(-1)])
    e_all = _make_edge_kernel(2 * n, epad)(t, src, dst)
    e_pred = e_all[:e, None]
    return (e_pred, ymu.reshape(-1))

# --- scband reference (transcript-rebuilt; emitter-appended) ---
"""Pipeline reference for scband-lsmreg-1563368096543 (READ-ONLY COPY).

The authoritative reference and input builder live on the scoring server;
editing this copy changes nothing except your own understanding.
"""

import jax, jax.numpy as jnp
import numpy as np

N = 10000
E = 160000
D = 256
HS = 2048
HX = 512

def setup_inputs(seed: int = 0) -> dict:
    key = jax.random.key(seed)
    ks = jax.random.split(key, 12)
    x = jax.random.normal(ks[0], (N, D), dtype=jnp.float32)
    edge_index = jax.random.randint(ks[1], (2, E), 0, N, dtype=jnp.int64)
    train_mask = jax.random.randint(ks[2], (N,), 0, 2).astype(bool)
    y = jax.random.normal(ks[3], (N,), dtype=jnp.float32)
    # parameters (fan-in scaled, like nn.Linear defaults)
    W1 = jax.random.uniform(ks[4], (D, HS), dtype=jnp.float32, minval=-1, maxval=1) / np.sqrt(D)
    b1 = jax.random.uniform(ks[5], (HS,), dtype=jnp.float32, minval=-1, maxval=1) / np.sqrt(D)
    W2 = jax.random.uniform(ks[6], (HS, 1), dtype=jnp.float32, minval=-1, maxval=1) / np.sqrt(HS)
    b2 = jax.random.uniform(ks[7], (1,), dtype=jnp.float32, minval=-1, maxval=1) / np.sqrt(HS)
    Wx = jax.random.uniform(ks[8], (D, HX), dtype=jnp.float32, minval=-1, maxval=1) / np.sqrt(D)
    bx = jax.random.uniform(ks[9], (HX,), dtype=jnp.float32, minval=-1, maxval=1) / np.sqrt(D)
    Fe = 2 * (HX + 1)
    We = jax.random.uniform(ks[10], (Fe, 1), dtype=jnp.float32, minval=-1, maxval=1) / np.sqrt(Fe)
    be = jax.random.uniform(ks[11], (1,), dtype=jnp.float32, minval=-1, maxval=1) / np.sqrt(Fe)
    return {"x": x, "edge_index": edge_index, "train_mask": train_mask, "y": y,
            "W1": W1, "b1": b1, "W2": W2, "b2": b2, "Wx": Wx, "bx": bx, "We": We, "be": be}

def reference(x, edge_index, train_mask, y, W1, b1, W2, b2, Wx, bx, We, be):
    # MLPReg p_y_x (eval mode: dropout is identity)
    h = jax.nn.relu(x @ W1 + b1)
    y_mlp = (h @ W2 + b2).reshape(-1)
    # replace predictions with ground truth on train nodes
    y_mu = jnp.where(train_mask, y, y_mlp)[:, None]
    # x encoder (eval mode: dropout is identity)
    xe = jax.nn.relu(x @ Wx + bx)
    src = edge_index[0]
    dst = edge_index[1]
    y_q = jnp.take(y_mu, src, axis=0)
    y_k = jnp.take(y_mu, dst, axis=0)
    x_q = jnp.take(xe, src, axis=0)
    x_k = jnp.take(xe, dst, axis=0)
    xy = jnp.concatenate([x_q, x_k, y_q, y_k], axis=1)
    e_pred_pos = xy @ We + be
    # neg_ratio = 0.0 -> e_pred_neg is None (omitted from outputs)
    return (e_pred_pos, jnp.squeeze(y_mu))

if __name__ == "__main__":
    import jax
    _d = setup_inputs()
    print(jax.jit(kernel)(*tuple(_d.values())))

</pallas_src>

<mosaic_0001>
#map = affine_map<(d0, d1) -> (0)>
module attributes {stable_mosaic.version = 14 : i64} {
  func.func @edge_kernel(%arg0: i32, %arg1: i32, %arg2: memref<20000xf32, #tpu.memory_space<hbm>>, %arg3: memref<160256xi32, #tpu.memory_space<hbm>>, %arg4: memref<160256xi32, #tpu.memory_space<hbm>>, %arg5: memref<160256xf32, #tpu.memory_space<hbm>>, %arg6: memref<5008xi32, #tpu.memory_space<vmem>>, %arg7: memref<5008xi32, #tpu.memory_space<vmem>>, %arg8: memref<20000xf32, #tpu.memory_space<vmem>>, %arg9: memref<5008xf32, #tpu.memory_space<vmem>>, %arg10: memref<!tpu.dma_semaphore, #tpu.memory_space<semaphore_mem>>) attributes {dimension_semantics = [#tpu.dimension_semantics<core_parallel>, #tpu.dimension_semantics<subcore_parallel>], iteration_bounds = array<i64: 2, 16>, scalar_prefetch = 0 : i64, scratch_operands = 5 : i64, tpu.core_type = #tpu.core_type<sc_vector_subcore>, window_params = [{transform_indices = #map}, {transform_indices = #map}, {transform_indices = #map}, {transform_indices = #map}]} {
    %mul3A = arith.constant 2 : i32
    %mul3A_0 = arith.muli %arg1, %mul3A : i32
    %add3A = arith.addi %mul3A_0, %arg0 : i32
    %mul3A_1 = arith.constant 5008 : i32
    %mul3A_2 = arith.muli %add3A, %mul3A_1 : i32
    %dma_start3A = tpu.memref_slice %arg3[%mul3A_2] : memref<160256xi32, #tpu.memory_space<hbm>> -> memref<5008xi32, #tpu.memory_space<hbm>>
    %dma_start3A_3 = tpu.memref_slice %arg3[%mul3A_2] : memref<160256xi32, #tpu.memory_space<hbm>> -> memref<5008xi32, #tpu.memory_space<hbm>>
    tpu.enqueue_dma source(%dma_start3A_3 : memref<5008xi32, #tpu.memory_space<hbm>>) target(%arg6 : memref<5008xi32, #tpu.memory_space<vmem>>) target_semaphore(%arg10 : memref<!tpu.dma_semaphore, #tpu.memory_space<semaphore_mem>>)
    %dma_start3A_4 = tpu.memref_slice %arg4[%mul3A_2] : memref<160256xi32, #tpu.memory_space<hbm>> -> memref<5008xi32, #tpu.memory_space<hbm>>
    %dma_start3A_5 = tpu.memref_slice %arg4[%mul3A_2] : memref<160256xi32, #tpu.memory_space<hbm>> -> memref<5008xi32, #tpu.memory_space<hbm>>
    tpu.enqueue_dma source(%dma_start3A_5 : memref<5008xi32, #tpu.memory_space<hbm>>) target(%arg7 : memref<5008xi32, #tpu.memory_space<vmem>>) target_semaphore(%arg10 : memref<!tpu.dma_semaphore, #tpu.memory_space<semaphore_mem>>)
    tpu.enqueue_dma source(%arg2 : memref<20000xf32, #tpu.memory_space<hbm>>) target(%arg8 : memref<20000xf32, #tpu.memory_space<vmem>>) target_semaphore(%arg10 : memref<!tpu.dma_semaphore, #tpu.memory_space<semaphore_mem>>)
    %dma_wait3A = tpu.memref_slice %arg3[%mul3A_2] : memref<160256xi32, #tpu.memory_space<hbm>> -> memref<5008xi32, #tpu.memory_space<hbm>>
    %dma_wait3A_6 = tpu.memref_slice %arg3[%mul3A_2] : memref<160256xi32, #tpu.memory_space<hbm>> -> memref<5008xi32, #tpu.memory_space<hbm>>
    tpu.wait_dma2 semaphore(%arg10 : memref<!tpu.dma_semaphore, #tpu.memory_space<semaphore_mem>>) src(%dma_wait3A_6 : memref<5008xi32, #tpu.memory_space<hbm>>) dst(%arg6 : memref<5008xi32, #tpu.memory_space<vmem>>)
    %dma_wait3A_7 = tpu.memref_slice %arg4[%mul3A_2] : memref<160256xi32, #tpu.memory_space<hbm>> -> memref<5008xi32, #tpu.memory_space<hbm>>
    %dma_wait3A_8 = tpu.memref_slice %arg4[%mul3A_2] : memref<160256xi32, #tpu.memory_space<hbm>> -> memref<5008xi32, #tpu.memory_space<hbm>>
    tpu.wait_dma2 semaphore(%arg10 : memref<!tpu.dma_semaphore, #tpu.memory_space<semaphore_mem>>) src(%dma_wait3A_8 : memref<5008xi32, #tpu.memory_space<hbm>>) dst(%arg7 : memref<5008xi32, #tpu.memory_space<vmem>>)
    tpu.wait_dma2 semaphore(%arg10 : memref<!tpu.dma_semaphore, #tpu.memory_space<semaphore_mem>>) src(%arg2 : memref<20000xf32, #tpu.memory_space<hbm>>) dst(%arg8 : memref<20000xf32, #tpu.memory_space<vmem>>)
    %scan3A = arith.constant 0 : i32
    %scan3A_9 = arith.constant 0 : i32
    %scan3A_10 = arith.constant 312 : i32
    %scan3A_11 = arith.addi %scan3A_9, %scan3A_10 : i32
    %scan3A_12 = arith.constant 4 : i32
    scf.for %scan3A_24 = %scan3A_9 to %scan3A_11 step %scan3A_12  : i32 {
      %mul3A_25 = arith.constant 16 : i32
      %mul3A_26 = arith.muli %scan3A_24, %mul3A_25 : i32
      %get3A_27 = arith.index_cast %mul3A_26 : i32 to index
      %get3A_28 = tpu.vector_load %arg6[%get3A_27] {strides = array<i32>} : memref<5008xi32, #tpu.memory_space<vmem>>, vector<16xi32>,
      %get3A_29 = arith.index_cast %mul3A_26 : i32 to index
      %get3A_30 = tpu.vector_load %arg7[%get3A_29] {strides = array<i32>} : memref<5008xi32, #tpu.memory_space<vmem>>, vector<16xi32>,
      %gather3A_31 = tpu.vector_load_idx %arg8[%get3A_28] : memref<20000xf32, #tpu.memory_space<vmem>>[vector<16xi32>], vector<16xf32>,
      %gather3A_32 = tpu.vector_load_idx %arg8[%get3A_30] : memref<20000xf32, #tpu.memory_space<vmem>>[vector<16xi32>], vector<16xf32>,
      %add3A_33 = arith.addf %gather3A_31, %gather3A_32 : vector<16xf32>
      %swap3A_34 = arith.index_cast %mul3A_26 : i32 to index
      %swap3A_35 = tpu.vector_load %arg9[%swap3A_34] {strides = array<i32>} : memref<5008xf32, #tpu.memory_space<vmem>>, vector<16xf32>,
      tpu.vector_store %arg9[%swap3A_34], %add3A_33 {strides = array<i32>} : memref<5008xf32, #tpu.memory_space<vmem>>, vector<16xf32>,
      %scan3A_36 = arith.constant 1 : i32
      %scan3A_37 = arith.addi %scan3A_24, %scan3A_36 : i32
      %mul3A_38 = arith.constant 16 : i32
      %mul3A_39 = arith.muli %scan3A_37, %mul3A_38 : i32
      %get3A_40 = arith.index_cast %mul3A_39 : i32 to index
      %get3A_41 = tpu.vector_load %arg6[%get3A_40] {strides = array<i32>} : memref<5008xi32, #tpu.memory_space<vmem>>, vector<16xi32>,
      %get3A_42 = arith.index_cast %mul3A_39 : i32 to index
      %get3A_43 = tpu.vector_load %arg7[%get3A_42] {strides = array<i32>} : memref<5008xi32, #tpu.memory_space<vmem>>, vector<16xi32>,
      %gather3A_44 = tpu.vector_load_idx %arg8[%get3A_41] : memref<20000xf32, #tpu.memory_space<vmem>>[vector<16xi32>], vector<16xf32>,
      %gather3A_45 = tpu.vector_load_idx %arg8[%get3A_43] : memref<20000xf32, #tpu.memory_space<vmem>>[vector<16xi32>], vector<16xf32>,
      %add3A_46 = arith.addf %gather3A_44, %gather3A_45 : vector<16xf32>
      %swap3A_47 = arith.index_cast %mul3A_39 : i32 to index
      %swap3A_48 = tpu.vector_load %arg9[%swap3A_47] {strides = array<i32>} : memref<5008xf32, #tpu.memory_space<vmem>>, vector<16xf32>,
      tpu.vector_store %arg9[%swap3A_47], %add3A_46 {strides = array<i32>} : memref<5008xf32, #tpu.memory_space<vmem>>, vector<16xf32>,
      %scan3A_49 = arith.constant 2 : i32
      %scan3A_50 = arith.addi %scan3A_24, %scan3A_49 : i32
      %mul3A_51 = arith.constant 16 : i32
      %mul3A_52 = arith.muli %scan3A_50, %mul3A_51 : i32
      %get3A_53 = arith.index_cast %mul3A_52 : i32 to index
      %get3A_54 = tpu.vector_load %arg6[%get3A_53] {strides = array<i32>} : memref<5008xi32, #tpu.memory_space<vmem>>, vector<16xi32>,
      %get3A_55 = arith.index_cast %mul3A_52 : i32 to index
      %get3A_56 = tpu.vector_load %arg7[%get3A_55] {strides = array<i32>} : memref<5008xi32, #tpu.memory_space<vmem>>, vector<16xi32>,
      %gather3A_57 = tpu.vector_load_idx %arg8[%get3A_54] : memref<20000xf32, #tpu.memory_space<vmem>>[vector<16xi32>], vector<16xf32>,
      %gather3A_58 = tpu.vector_load_idx %arg8[%get3A_56] : memref<20000xf32, #tpu.memory_space<vmem>>[vector<16xi32>], vector<16xf32>,
      %add3A_59 = arith.addf %gather3A_57, %gather3A_58 : vector<16xf32>
      %swap3A_60 = arith.index_cast %mul3A_52 : i32 to index
      %swap3A_61 = tpu.vector_load %arg9[%swap3A_60] {strides = array<i32>} : memref<5008xf32, #tpu.memory_space<vmem>>, vector<16xf32>,
      tpu.vector_store %arg9[%swap3A_60], %add3A_59 {strides = array<i32>} : memref<5008xf32, #tpu.memory_space<vmem>>, vector<16xf32>,
      %scan3A_62 = arith.constant 3 : i32
      %scan3A_63 = arith.addi %scan3A_24, %scan3A_62 : i32
      %mul3A_64 = arith.constant 16 : i32
      %mul3A_65 = arith.muli %scan3A_63, %mul3A_64 : i32
      %get3A_66 = arith.index_cast %mul3A_65 : i32 to index
      %get3A_67 = tpu.vector_load %arg6[%get3A_66] {strides = array<i32>} : memref<5008xi32, #tpu.memory_space<vmem>>, vector<16xi32>,
      %get3A_68 = arith.index_cast %mul3A_65 : i32 to index
      %get3A_69 = tpu.vector_load %arg7[%get3A_68] {strides = array<i32>} : memref<5008xi32, #tpu.memory_space<vmem>>, vector<16xi32>,
      %gather3A_70 = tpu.vector_load_idx %arg8[%get3A_67] : memref<20000xf32, #tpu.memory_space<vmem>>[vector<16xi32>], vector<16xf32>,
      %gather3A_71 = tpu.vector_load_idx %arg8[%get3A_69] : memref<20000xf32, #tpu.memory_space<vmem>>[vector<16xi32>], vector<16xf32>,
      %add3A_72 = arith.addf %gather3A_70, %gather3A_71 : vector<16xf32>
      %swap3A_73 = arith.index_cast %mul3A_65 : i32 to index
      %swap3A_74 = tpu.vector_load %arg9[%swap3A_73] {strides = array<i32>} : memref<5008xf32, #tpu.memory_space<vmem>>, vector<16xf32>,
      tpu.vector_store %arg9[%swap3A_73], %add3A_72 {strides = array<i32>} : memref<5008xf32, #tpu.memory_space<vmem>>, vector<16xf32>,
    }
    %scan3A_13 = arith.constant 312 : i32
    %scan3A_14 = arith.addi %scan3A_9, %scan3A_13 : i32
    %mul3A_15 = arith.constant 16 : i32
    %mul3A_16 = arith.muli %scan3A_14, %mul3A_15 : i32
    %get3A = arith.index_cast %mul3A_16 : i32 to index
    %get3A_17 = tpu.vector_load %arg6[%get3A] {strides = array<i32>} : memref<5008xi32, #tpu.memory_space<vmem>>, vector<16xi32>,
    %get3A_18 = arith.index_cast %mul3A_16 : i32 to index
    %get3A_19 = tpu.vector_load %arg7[%get3A_18] {strides = array<i32>} : memref<5008xi32, #tpu.memory_space<vmem>>, vector<16xi32>,
    %gather3A = tpu.vector_load_idx %arg8[%get3A_17] : memref<20000xf32, #tpu.memory_space<vmem>>[vector<16xi32>], vector<16xf32>,
    %gather3A_20 = tpu.vector_load_idx %arg8[%get3A_19] : memref<20000xf32, #tpu.memory_space<vmem>>[vector<16xi32>], vector<16xf32>,
    %add3A_21 = arith.addf %gather3A, %gather3A_20 : vector<16xf32>
    %swap3A = arith.index_cast %mul3A_16 : i32 to index
    %swap3A_22 = tpu.vector_load %arg9[%swap3A] {strides = array<i32>} : memref<5008xf32, #tpu.memory_space<vmem>>, vector<16xf32>,
    tpu.vector_store %arg9[%swap3A], %add3A_21 {strides = array<i32>} : memref<5008xf32, #tpu.memory_space<vmem>>, vector<16xf32>,
    %scan3A_23 = arith.constant 313 : i32
    "tpu.region"() ({
      %run_scoped3A = tpu.sem_alloc : memref<!tpu.dma_semaphore, #tpu.memory_space<semaphore_mem>>
      %dma_start3A_24 = tpu.memref_slice %arg5[%mul3A_2] : memref<160256xf32, #tpu.memory_space<hbm>> -> memref<5008xf32, #tpu.memory_space<hbm>>
      %dma_start3A_25 = tpu.memref_slice %arg5[%mul3A_2] : memref<160256xf32, #tpu.memory_space<hbm>> -> memref<5008xf32, #tpu.memory_space<hbm>>
      tpu.enqueue_dma source(%arg9 : memref<5008xf32, #tpu.memory_space<vmem>>) target(%dma_start3A_25 : memref<5008xf32, #tpu.memory_space<hbm>>) target_semaphore(%run_scoped3A : memref<!tpu.dma_semaphore, #tpu.memory_space<semaphore_mem>>)
      %dma_wait3A_26 = tpu.memref_slice %arg5[%mul3A_2] : memref<160256xf32, #tpu.memory_space<hbm>> -> memref<5008xf32, #tpu.memory_space<hbm>>
      %dma_wait3A_27 = tpu.memref_slice %arg5[%mul3A_2] : memref<160256xf32, #tpu.memory_space<hbm>> -> memref<5008xf32, #tpu.memory_space<hbm>>
      tpu.wait_dma2 semaphore(%run_scoped3A : memref<!tpu.dma_semaphore, #tpu.memory_space<semaphore_mem>>) src(%arg9 : memref<5008xf32, #tpu.memory_space<vmem>>) dst(%dma_wait3A_27 : memref<5008xf32, #tpu.memory_space<hbm>>)
      tpu.yield
    }) : () -> ()
    return
  }
}

module attributes {stable_mosaic.version = 14 : i64} {
  func.func @_dense_body(%arg0: i32, %arg1: memref<2000x256xf32, #tpu.memory_space<vmem>>, %arg2: memref<2000x1xf32, #tpu.memory_space<vmem>>, %arg3: memref<2000x1xf32, #tpu.memory_space<vmem>>, %arg4: memref<256x2048xf32, #tpu.memory_space<vmem>>, %arg5: memref<1x2048xf32, #tpu.memory_space<vmem>>, %arg6: memref<2048x1xf32, #tpu.memory_space<vmem>>, %arg7: memref<1x1xf32, #tpu.memory_space<vmem>>, %arg8: memref<256x512xf32, #tpu.memory_space<vmem>>, %arg9: memref<1x512xf32, #tpu.memory_space<vmem>>, %arg10: memref<512x2xf32, #tpu.memory_space<vmem>>, %arg11: memref<1x4xf32, #tpu.memory_space<vmem>>, %arg12: memref<2000x1xf32, #tpu.memory_space<vmem>>, %arg13: memref<2000x1xf32, #tpu.memory_space<vmem>>, %arg14: memref<2000x1xf32, #tpu.memory_space<vmem>>) attributes {dimension_semantics = [#tpu.dimension_semantics<arbitrary>], iteration_bounds = array<i64: 5>, scalar_prefetch = 0 : i64, scratch_operands = 0 : i64, tpu.core_type = #tpu.core_type<tc>, window_params = [{transform_indices = @transform_0, window_bounds = array<i64: 2000, 256>}, {transform_indices = @transform_1, window_bounds = array<i64: 2000, 1>}, {transform_indices = @transform_2, window_bounds = array<i64: 2000, 1>}, {pipeline_mode = #tpu.pipeline_mode<synchronous>, transform_indices = @transform_3, window_bounds = array<i64: 256, 2048>}, {pipeline_mode = #tpu.pipeline_mode<synchronous>, transform_indices = @transform_4, window_bounds = array<i64: 1, 2048>}, {pipeline_mode = #tpu.pipeline_mode<synchronous>, transform_indices = @transform_5, window_bounds = array<i64: 2048, 1>}, {pipeline_mode = #tpu.pipeline_mode<synchronous>, transform_indices = @transform_6, window_bounds = array<i64: 1, 1>}, {pipeline_mode = #tpu.pipeline_mode<synchronous>, transform_indices = @transform_7, window_bounds = array<i64: 256, 512>}, {pipeline_mode = #tpu.pipeline_mode<synchronous>, transform_indices = @transform_8, window_bounds = array<i64: 1, 512>}, {pipeline_mode = #tpu.pipeline_mode<synchronous>, transform_indices = @transform_9, window_bounds = array<i64: 512, 2>}, {pipeline_mode = #tpu.pipeline_mode<synchronous>, transform_indices = @transform_10, window_bounds = array<i64: 1, 4>}, {transform_indices = @transform_11, window_bounds = array<i64: 2000, 1>}, {transform_indices = @transform_12, window_bounds = array<i64: 2000, 1>}, {transform_indices = @transform_13, window_bounds = array<i64: 2000, 1>}]} {
    %get3A = arith.constant 0 : index
    %get3A_0 = arith.constant 0 : index
    %get3A_1 = vector.load %arg1[%get3A, %get3A_0] : memref<2000x256xf32, #tpu.memory_space<vmem>>, vector<2000x256xf32>
    %get3A_2 = arith.constant 0 : index
    %get3A_3 = arith.constant 0 : index
    %get3A_4 = vector.load %arg4[%get3A_2, %get3A_3] : memref<256x2048xf32, #tpu.memory_space<vmem>>, vector<256x2048xf32>
    %dot_general3A = arith.constant dense<0.000000e+00> : vector<2000x2048xf32>
    %dot_general3A_5 = tpu.matmul %get3A_1, %get3A_4, %dot_general3A {dimension_numbers = #tpu.dot_dimension_numbers<[1], [0], [0], [1], [0, 0, 1, 1], [], []>, transpose_lhs_hint = false} : vector<2000x256xf32>, vector<256x2048xf32>, vector<2000x2048xf32> -> vector<2000x2048xf32>
    %get3A_6 = arith.constant 0 : index
    %get3A_7 = arith.constant 0 : index
    %get3A_8 = vector.load %arg5[%get3A_6, %get3A_7] : memref<1x2048xf32, #tpu.memory_space<vmem>>, vector<1x2048xf32>
    %add3A = vector.broadcast %get3A_8 : vector<1x2048xf32> to vector<2000x2048xf32>
    %add3A_9 = arith.addf %dot_general3A_5, %add3A : vector<2000x2048xf32>
    %max3A = arith.constant 0.000000e+00 : f32
    %max3A_10 = vector.broadcast %max3A : f32 to vector<2000x2048xf32>
    %max3A_11 = arith.maximumf %add3A_9, %max3A_10 : vector<2000x2048xf32>
    %get3A_12 = arith.constant 0 : index
    %get3A_13 = arith.constant 0 : index
    %get3A_14 = vector.load %arg6[%get3A_12, %get3A_13] : memref<2048x1xf32, #tpu.memory_space<vmem>>, vector<2048x1xf32>
    %dot_general3A_15 = arith.constant dense<0.000000e+00> : vector<2000x1xf32>
    %dot_general3A_16 = tpu.matmul %max3A_11, %get3A_14, %dot_general3A_15 {dimension_numbers = #tpu.dot_dimension_numbers<[1], [0], [0], [1], [0, 0, 1, 1], [], []>, transpose_lhs_hint = false} : vector<2000x2048xf32>, vector<2048x1xf32>, vector<2000x1xf32> -> vector<2000x1xf32>
    %get3A_17 = arith.constant 0 : index
    %get3A_18 = arith.constant 0 : index
    %get3A_19 = vector.load %arg7[%get3A_17, %get3A_18] : memref<1x1xf32, #tpu.memory_space<vmem>>, vector<1x1xf32>
    %add3A_20 = vector.broadcast %get3A_19 : vector<1x1xf32> to vector<2000x1xf32>
    %add3A_21 = arith.addf %dot_general3A_16, %add3A_20 : vector<2000x1xf32>
    %get3A_22 = arith.constant 0 : index
    %get3A_23 = arith.constant 0 : index
    %get3A_24 = vector.load %arg2[%get3A_22, %get3A_23] : memref<2000x1xf32, #tpu.memory_space<vmem>>, vector<2000x1xf32>
    %gt3A = arith.constant 5.000000e-01 : f32
    %gt3A_25 = vector.broadcast %gt3A : f32 to vector<2000x1xf32>
    %gt3A_26 = arith.cmpf ogt, %get3A_24, %gt3A_25 : vector<2000x1xf32>
    %get3A_27 = arith.constant 0 : index
    %get3A_28 = arith.constant 0 : index
    %get3A_29 = vector.load %arg3[%get3A_27, %get3A_28] : memref<2000x1xf32, #tpu.memory_space<vmem>>, vector<2000x1xf32>
    %select_n3A = arith.select %gt3A_26, %get3A_29, %add3A_21 : vector<2000x1xi1>, vector<2000x1xf32>
    %get3A_30 = arith.constant 0 : index
    %get3A_31 = arith.constant 0 : index
    %get3A_32 = vector.load %arg8[%get3A_30, %get3A_31] : memref<256x512xf32, #tpu.memory_space<vmem>>, vector<256x512xf32>
    %dot_general3A_33 = arith.constant dense<0.000000e+00> : vector<2000x512xf32>
    %dot_general3A_34 = tpu.matmul %get3A_1, %get3A_32, %dot_general3A_33 {dimension_numbers = #tpu.dot_dimension_numbers<[1], [0], [0], [1], [0, 0, 1, 1], [], []>, transpose_lhs_hint = false} : vector<2000x256xf32>, vector<256x512xf32>, vector<2000x512xf32> -> vector<2000x512xf32>
    %get3A_35 = arith.constant 0 : index
    %get3A_36 = arith.constant 0 : index
    %get3A_37 = vector.load %arg9[%get3A_35, %get3A_36] : memref<1x512xf32, #tpu.memory_space<vmem>>, vector<1x512xf32>
    %add3A_38 = vector.broadcast %get3A_37 : vector<1x512xf32> to vector<2000x512xf32>
    %add3A_39 = arith.addf %dot_general3A_34, %add3A_38 : vector<2000x512xf32>
    %max3A_40 = arith.constant 0.000000e+00 : f32
    %max3A_41 = vector.broadcast %max3A_40 : f32 to vector<2000x512xf32>
    %max3A_42 = arith.maximumf %add3A_39, %max3A_41 : vector<2000x512xf32>
    %get3A_43 = arith.constant 0 : index
    %get3A_44 = arith.constant 0 : index
    %get3A_45 = vector.load %arg10[%get3A_43, %get3A_44] : memref<512x2xf32, #tpu.memory_space<vmem>>, vector<512x2xf32>
    %dot_general3A_46 = arith.constant dense<0.000000e+00> : vector<2000x2xf32>
    %dot_general3A_47 = tpu.matmul %max3A_42, %get3A_45, %dot_general3A_46 {dimension_numbers = #tpu.dot_dimension_numbers<[1], [0], [0], [1], [0, 0, 1, 1], [], []>, transpose_lhs_hint = false} : vector<2000x512xf32>, vector<512x2xf32>, vector<2000x2xf32> -> vector<2000x2xf32>
    %swap3A = arith.constant 0 : index
    %swap3A_48 = arith.constant 0 : index
    %swap3A_49 = vector.load %arg12[%swap3A, %swap3A_48] : memref<2000x1xf32, #tpu.memory_space<vmem>>, vector<2000x1xf32>
    tpu.vector_store %arg12[%swap3A, %swap3A_48], %select_n3A {strides = array<i32>} : memref<2000x1xf32, #tpu.memory_space<vmem>>, vector<2000x1xf32>,
    %slice3A = vector.extract_strided_slice %dot_general3A_47 {offsets = [0, 0], sizes = [2000, 1], strides = [1, 1]} : vector<2000x2xf32> to vector<2000x1xf32>
    %get3A_50 = arith.constant 0 : index
    %get3A_51 = arith.constant 0 : index
    %get3A_52 = vector.load %arg11[%get3A_50, %get3A_51] : memref<1x4xf32, #tpu.memory_space<vmem>>, vector<1x1xf32>
    %mul3A = vector.broadcast %get3A_52 : vector<1x1xf32> to vector<2000x1xf32>
    %mul3A_53 = arith.mulf %mul3A, %select_n3A : vector<2000x1xf32>
    %add3A_54 = arith.addf %slice3A, %mul3A_53 : vector<2000x1xf32>
    %get3A_55 = arith.constant 0 : index
    %get3A_56 = arith.constant 2 : index
    %get3A_57 = vector.load %arg11[%get3A_55, %get3A_56] : memref<1x4xf32, #tpu.memory_space<vmem>>, vector<1x1xf32>
    %add3A_58 = vector.broadcast %get3A_57 : vector<1x1xf32> to vector<2000x1xf32>
    %add3A_59 = arith.addf %add3A_54, %add3A_58 : vector<2000x1xf32>
    %swap3A_60 = arith.constant 0 : index
    %swap3A_61 = arith.constant 0 : index
    %swap3A_62 = vector.load %arg13[%swap3A_60, %swap3A_61] : memref<2000x1xf32, #tpu.memory_space<vmem>>, vector<2000x1xf32>
    tpu.vector_store %arg13[%swap3A_60, %swap3A_61], %add3A_59 {strides = array<i32>} : memref<2000x1xf32, #tpu.memory_space<vmem>>, vector<2000x1xf32>,
    %slice3A_63 = vector.extract_strided_slice %dot_general3A_47 {offsets = [0, 1], sizes = [2000, 1], strides = [1, 1]} : vector<2000x2xf32> to vector<2000x1xf32>
    %get3A_64 = arith.constant 0 : index
    %get3A_65 = arith.constant 1 : index
    %get3A_66 = vector.load %arg11[%get3A_64, %get3A_65] : memref<1x4xf32, #tpu.memory_space<vmem>>, vector<1x1xf32>
    %mul3A_67 = vector.broadcast %get3A_66 : vector<1x1xf32> to vector<2000x1xf32>
    %mul3A_68 = arith.mulf %mul3A_67, %select_n3A : vector<2000x1xf32>
    %add3A_69 = arith.addf %slice3A_63, %mul3A_68 : vector<2000x1xf32>
    %swap3A_70 = arith.constant 0 : index
    %swap3A_71 = arith.constant 0 : index
    %swap3A_72 = vector.load %arg14[%swap3A_70, %swap3A_71] : memref<2000x1xf32, #tpu.memory_space<vmem>>, vector<2000x1xf32>
    tpu.vector_store %arg14[%swap3A_70, %swap3A_71], %add3A_69 {strides = array<i32>} : memref<2000x1xf32, #tpu.memory_space<vmem>>, vector<2000x1xf32>,
    return
  }
  func.func @transform_0(%arg0: i32) -> (i32, i32) {
    %c0_i32 = arith.constant 0 : i32
    %c0_i32_0 = arith.constant 0 : i32
    return %arg0, %c0_i32 : i32, i32
  }
  func.func @transform_1(%arg0: i32) -> (i32, i32) {
    %c0_i32 = arith.constant 0 : i32
    %c0_i32_0 = arith.constant 0 : i32
    return %arg0, %c0_i32 : i32, i32
  }
  func.func @transform_2(%arg0: i32) -> (i32, i32) {
    %c0_i32 = arith.constant 0 : i32
    %c0_i32_0 = arith.constant 0 : i32
    return %arg0, %c0_i32 : i32, i32
  }
  func.func @transform_3(%arg0: i32) -> (i32, i32) {
    %c0_i32 = arith.constant 0 : i32
    %c0_i32_0 = arith.constant 0 : i32
    %c0_i32_1 = arith.constant 0 : i32
    return %c0_i32, %c0_i32_0 : i32, i32
  }
  func.func @transform_4(%arg0: i32) -> (i32, i32) {
    %c0_i32 = arith.constant 0 : i32
    %c0_i32_0 = arith.constant 0 : i32
    %c0_i32_1 = arith.constant 0 : i32
    return %c0_i32, %c0_i32_0 : i32, i32
  }
  func.func @transform_5(%arg0: i32) -> (i32, i32) {
    %c0_i32 = arith.constant 0 : i32
    %c0_i32_0 = arith.constant 0 : i32
    %c0_i32_1 = arith.constant 0 : i32
    return %c0_i32, %c0_i32_0 : i32, i32
  }
  func.func @transform_6(%arg0: i32) -> (i32, i32) {
    %c0_i32 = arith.constant 0 : i32
    %c0_i32_0 = arith.constant 0 : i32
    %c0_i32_1 = arith.constant 0 : i32
    return %c0_i32, %c0_i32_0 : i32, i32
  }
  func.func @transform_7(%arg0: i32) -> (i32, i32) {
    %c0_i32 = arith.constant 0 : i32
    %c0_i32_0 = arith.constant 0 : i32
    %c0_i32_1 = arith.constant 0 : i32
    return %c0_i32, %c0_i32_0 : i32, i32
  }
  func.func @transform_8(%arg0: i32) -> (i32, i32) {
    %c0_i32 = arith.constant 0 : i32
    %c0_i32_0 = arith.constant 0 : i32
    %c0_i32_1 = arith.constant 0 : i32
    return %c0_i32, %c0_i32_0 : i32, i32
  }
  func.func @transform_9(%arg0: i32) -> (i32, i32) {
    %c0_i32 = arith.constant 0 : i32
    %c0_i32_0 = arith.constant 0 : i32
    %c0_i32_1 = arith.constant 0 : i32
    return %c0_i32, %c0_i32_0 : i32, i32
  }
  func.func @transform_10(%arg0: i32) -> (i32, i32) {
    %c0_i32 = arith.constant 0 : i32
    %c0_i32_0 = arith.constant 0 : i32
    %c0_i32_1 = arith.constant 0 : i32
    return %c0_i32, %c0_i32_0 : i32, i32
  }
  func.func @transform_11(%arg0: i32) -> (i32, i32) {
    %c0_i32 = arith.constant 0 : i32
    %c0_i32_0 = arith.constant 0 : i32
    return %arg0, %c0_i32 : i32, i32
  }
  func.func @transform_12(%arg0: i32) -> (i32, i32) {
    %c0_i32 = arith.constant 0 : i32
    %c0_i32_0 = arith.constant 0 : i32
    return %arg0, %c0_i32 : i32, i32
  }
  func.func @transform_13(%arg0: i32) -> (i32, i32) {
    %c0_i32 = arith.constant 0 : i32
    %c0_i32_0 = arith.constant 0 : i32
    return %arg0, %c0_i32 : i32, i32
  }
}

</mosaic_0001>

<sc_bundles>
// kernel: kernel.4.cloned.1.call-start
scs
__scs_entry_jumppad:
0x0: {  	(pc) =	sbr.rel $0x88, $3  }
0x1: {  	(tag) =	ssettag $0x0;
	lr =	simm.s32 $0x1  }
0x2: {  	[smem:$0x3F95] =	sst lr;
	_ =	strace $0xD0000000  }
0x3: {  	_ = 	snop  }
0x4: {  	_ = 	snop  }
0x5: {  	_ = 	snop  }
0x6: {  	_ = 	snop  }
0x7: {  	_ = 	snop  }
__scs_overlays_trampoline_lowered:
0x8: {  	[smem:$0x3FA4] =	sst s0  }
0x9: {  	[smem:$0x3FA5] =	sst s1  }
0xa: {  	[smem:$0x3FA6] =	sst s2  }
0xb: {  	[smem:$0x3FA7] =	sst s3  }
0xc: {  	[smem:$0x3FA8] =	sst s4  }
0xd: {  	[smem:$0x3FA9] =	sst s5  }
0xe: {  	[smem:$0x3FAA] =	sst s6  }
0xf: {  	[smem:$0x3FAB] =	sst s7  }
0x10: {  	[smem:$0x3FAC] =	sst s8  }
0x11: {  	[smem:$0x3FAD] =	sst s9;
	s0 =	simm.s32 @!p0 $0x0  }
0x12: {  	s1 =	sld [smem:$0x3F93];
	s0 =	simm.s32 @p0 $0x1  }
0x13: {  	[smem:$0x3FAE] =	sst s0;
	s0 =	simm.s32 @!p1 $0x0  }
0x14: {  	s2 =	sld [smem:$0x3F92];
	s0 =	simm.s32 @p1 $0x1  }
0x15: {  	[smem:$0x3FAF] =	sst s0;
	s0 =	simm.s32 @!p2 $0x0  }
0x16: {  	s3 =	sld [smem:$0x3FDB];
	s0 =	simm.s32 @p2 $0x1  }
0x17: {  	s4 =	simm.s32 $0x1BF5;
	[smem:$0x3FB1] =	sst s0  }
0x18: {  	s0 =	sld [smem:$0x3F94];
	_ =	swait.ge [sflag:s4], $0x0  }
0x19: {  	s7 =	sld [smem:$0x3F95]  }
0x1a: {  	s8 =	sadd.s32 $0xFFFFE003, lr  }
0x1b: {  	s9 =	sadd.s32 $0xFFFFFEF7, lr;
	s5 =	simm.s32 $0xFFFFFFFF;
	p2 =	slt.u32 s8, $0xFFFFF086  }
0x1c: {  	p1 =	slt.u32 s9, $0xF7A;
	s5 =	simm.s32 @!p2 $0x0  }
0x1d: {  	s5 =	simm.s32 @p1 $0x1;
	p0 =	seq.s32 s7, s2  }
0x1e: {  	s7 =	smul.u32 @!p0 $0xF7A, s2;
	p2 =	seq.s32 @!p0 s5, $0x0  }
0x1f: {  	s9 =	smul.u32 $0xF7A, s1;
	s8 =	simm.s32 @!p0 $0x1BF5;
	p2 =	por !p2, p0  }
0x20: {  	[sflag:s8] =	ssyncset.s32 @!p0 $0xFFFFF086;
	s6 =	sadd.s32 @!p0 s3, s7;
	s7 =	simm.s32 @!p0 $0x108  }
0x21: {  	s3 =	sadd.s32 s3, s9;
	s6 =	sadd.s32 @!p0 $0x88, s6;
	s7 =	simm.s32 @p2 $0x1082  }
0x22: {  	[simem:s7], [sflag:s8] =	dma.local @!p0 [hbm:s6], $0xF7A  }
0x23: {  	s9 =	sor.u32 $0xD0000000, s2;
	s6 =	simm.s32 $0x108;
	_ =	swait.ge @!p0 [sflag:s8], $0x0  }
0x24: {  	s3 =	sadd.s32 $0x88, s3;
	s6 =	simm.s32 @!p1 $0x1082;
	[sflag:s4] =	ssyncset.s32 $0xFFFFF086  }
0x25: {  	[simem:s6], [sflag:s4] =	dma.local [hbm:s3], $0xF7A  }
0x26: {  	[smem:$0x3F95] =	sst s1;
	(tag) =	ssettag s2;
	_ =	strace s9  }
0x27: {  	s1 =	sld [smem:$0x3FA5]  }
0x28: {  	s2 =	sld [smem:$0x3FA6]  }
0x29: {  	s4 =	sld [smem:$0x3FA8]  }
0x2a: {  	p0 =	seq.s32 s5, $0x0;
	s5 =	sld [smem:$0x3FA9]  }
0x2b: {  	s6 =	sld [smem:$0x3FAA]  }
0x2c: {  	s7 =	sld [smem:$0x3FAB]  }
0x2d: {  	s3 =	simm.s32 $0x108;
	s8 =	sld [smem:$0x3FAC]  }
0x2e: {  	s3 =	simm.s32 @!p0 $0x1082;
	s9 =	sld [smem:$0x3FAD]  }
0x2f: {  	lr =	sadd.s32 s0, s3;
	s0 =	sld [smem:$0x3FA4]  }
0x30: {  	s3 =	sld [smem:$0x3FA7]  }
0x31: {  	[smem:$0x3FB0] =	sst s10  }
0x32: {  	s10 =	sld [smem:$0x3FAE];
	_ =	sdelay $0x3  }
0x33: {  	p0 =	seq.s32 s10, $0x1;
	s10 =	sld [smem:$0x3FB0];
	_ =	sdelay $0x3  }
0x34: {  	[smem:$0x3FB0] =	sst s10  }
0x35: {  	s10 =	sld [smem:$0x3FAF];
	_ =	sdelay $0x3  }
0x36: {  	p1 =	seq.s32 s10, $0x1;
	s10 =	sld [smem:$0x3FB0];
	_ =	sdelay $0x3  }
0x37: {  	[smem:$0x3FB0] =	sst s10  }
0x38: {  	s10 =	sld [smem:$0x3FB1]  }
0x39: {  	_ = 	snop;
	(pc) =	sbr.ind lr, $3  }
0x3a: {  	_ = 	snop  }
0x3b: {  	_ = 	snop  }
0x3c: {  	p2 =	seq.s32 s10, $0x1;
	s10 =	sld [smem:$0x3FB0]  }
0x3d: {  	_ =	shalt  }
0x3e: {  	_ =	shalt  }
0x3f: {  	_ =	shalt  }
0x40: {  	_ =	shalt  }
0x41: {  	_ =	shalt  }
0x42: {  	_ =	shalt  }
0x43: {  	_ =	shalt  }
0x44: {  	_ =	shalt  }
0x45: {  	_ =	shalt  }
0x46: {  	_ =	shalt  }
0x47: {  	_ =	shalt  }
0x48: {  	_ =	shalt  }
0x49: {  	_ =	shalt  }
0x4a: {  	_ =	shalt  }
0x4b: {  	_ =	shalt  }
0x4c: {  	_ =	shalt  }
0x4d: {  	_ =	shalt  }
0x4e: {  	_ =	shalt  }
0x4f: {  	_ =	shalt  }
0x50: {  	_ =	shalt  }
0x51: {  	_ =	shalt  }
0x52: {  	_ =	shalt  }
0x53: {  	_ =	shalt  }
0x54: {  	_ =	shalt  }
0x55: {  	_ =	shalt  }
0x56: {  	_ =	shalt  }
0x57: {  	_ =	shalt  }
0x58: {  	_ =	shalt  }
0x59: {  	_ =	shalt  }
0x5a: {  	_ =	shalt  }
0x5b: {  	_ =	shalt  }
0x5c: {  	_ =	shalt  }
0x5d: {  	_ =	shalt  }
0x5e: {  	_ =	shalt  }
0x5f: {  	_ =	shalt  }
0x60: {  	_ =	shalt  }
0x61: {  	_ =	shalt  }
0x62: {  	_ =	shalt  }
0x63: {  	_ =	shalt  }
0x64: {  	_ =	shalt  }
0x65: {  	_ =	shalt  }
0x66: {  	_ =	shalt  }
0x67: {  	_ =	shalt  }
0x68: {  	_ =	shalt  }
0x69: {  	_ =	shalt  }
0x6a: {  	_ =	shalt  }
0x6b: {  	_ =	shalt  }
0x6c: {  	_ =	shalt  }
0x6d: {  	_ =	shalt  }
0x6e: {  	_ =	shalt  }
0x6f: {  	_ =	shalt  }
0x70: {  	_ =	shalt  }
0x71: {  	_ =	shalt  }
0x72: {  	_ =	shalt  }
0x73: {  	_ =	shalt  }
0x74: {  	_ =	shalt  }
0x75: {  	_ =	shalt  }
0x76: {  	_ =	shalt  }
0x77: {  	_ =	shalt  }
0x78: {  	_ =	shalt  }
0x79: {  	_ =	shalt  }
0x7a: {  	_ =	shalt  }
0x7b: {  	_ =	shalt  }
0x7c: {  	_ =	shalt  }
0x7d: {  	_ =	shalt  }
0x7e: {  	_ =	shalt  }
0x7f: {  	_ =	shalt  }
0x80: {  	_ =	shalt  }
0x81: {  	_ =	shalt  }
0x82: {  	_ =	shalt  }
0x83: {  	_ =	shalt  }
0x84: {  	_ =	shalt  }
0x85: {  	_ =	shalt  }
0x86: {  	_ =	shalt  }
0x87: {  	_ =	shalt  }
.Lfunc_end0:
.L_simem_size_0:
called_computation_lowered:
.L_overlay_start_0:
0x88: {  	s2 =	sld [smem:$0x3FD9]  }
0x89: {  	s3 =	sld [smem:$0x3FFE];
	_ =	sdelay $0x1  }
0x8a: {  	s1 =	srdreg.scid  }
0x8b: {  	s0 =	sand.u32 $0x1, s1  }
0x8c: {  	s14 =	sshll.u32 s0, $0xA;
	s2 =	sadd.s32 s3, s2  }
0x8d: {  	s2 =	sadd.s32 s2, s14  }
0x8e: {  	[smem:$0x3FBC] =	sst s2  }
0x8f: {  	_ = 	snop  }
0x90: {  	s2 =	sld [smem:$0x3FD0];
	_ =	sdelay $0x2  }
0x91: {  	s15 =	simm.s32 $0xA;
	s4 =	simm.s32 $0x10  }
0x92: {  	[smem:s4], [sflag:s15] =	dma.local [hbm:s2], $0x1  }
0x93: {  	_ =	swait.eq [sflag:s15], $0x1  }
0x94: {  	[sflag:s15] =	ssyncset.done $0x0  }
0x95: {  	[sflag:s15] =	ssyncadd.s32 $0xFFFFFFFF  }
0x96: {  	s16 =	sld [smem:$0x10];
	(tm) =	ssettm $0x1  }
0x97: {  	s17 =	sld [smem:$0x3FFB];
	_ =	sdelay $0x3  }
0x98: {  	_ =	strace s17  }
0x99: {  	s3 =	sld [smem:$0x3FFC];
	_ =	sdelay $0x3  }
0x9a: {  	_ =	strace s3  }
0x9b: {  	s3 =	sld [smem:$0x3FFD];
	_ =	sdelay $0x3  }
0x9c: {  	_ =	strace s3  }
0x9d: {  	_ =	strace $0x8FFFFFFF  }
0x9e: {  	s18 =	sld [smem:$0x3FDB];
	_ =	sdelay $0x1  }
0x9f: {  	s19 =	simm.s32 $_scs_section_size  }
0xa0: {  	s5 =	simm.s32 $_size__tile_overlayer_lowered;
	s6 =	simm.s32 $_tile_overlayer_lowered  }
0xa1: {  	s22 =	simm.s32 $0x1BFF;
	s21 =	sshll.u32 s6, $0x1;
	s3 =	sadd.s32 s19, s18  }
0xa2: {  	s7 =	simm.s32 $0x0;
	s20 =	sshll.u32 s5, $0x1;
	s5 =	sadd.s32 s21, s3  }
0xa3: {  	[timem:s7], [sflag:s22] =	dma.local [hbm:s5], s20  }
0xa4: {  	_ =	swait.ge [sflag:s22], s20  }
0xa5: {  	s4 =	ssub.s32 $0x0, s20;
	[sflag:s22] =	ssyncset.done $0x0  }
0xa6: {  	[sflag:s22] =	ssyncadd.s32 s4;
	_ =	sdelay $0x1  }
0xa7: {  	s23 =	simm.s32 $0x1B8B  }
0xa8: {  	_ =	swait.ge [sflag:s23], $0x1  }
0xa9: {  	[sflag:s23] =	ssyncset.done $0x0  }
0xaa: {  	s25 =	simm.s32 $0x1B8E;
	s24 =	sld [smem:$0x3FFE];
	[sflag:s23] =	ssyncadd.s32 $0xFFFFFFFF  }
0xab: {  	s26 =	simm.s32 $execute0_lowered;
	[smem:$0x3FD2] =	sst s25  }
0xac: {  	s5 =	sshll.u32 s26, $0x1;
	_ =	strace $0x80000046;
	[dreg:$0x1] =	wrdreg $0xFFFFFFFF  }
0xad: {  	s28 =	simm.s32 $_size_execute0_lowered;
	s3 =	sadd.s32 s3, s5;
	[dreg:$0x0] =	wrdreg $0x0  }
0xae: {  	s5 =	sshll.u32 s28, $0x1;
	[dreg:$0x2] =	wrdreg s3  }
0xaf: {  	[dreg:$0x3] =	wrdreg s5  }
0xb0: {  	[dreg:$0x4] =	wrdreg $0xC0  }
0xb1: {  	_ =	task [dreg:s7], $0x5FFFF  }
0xb2: {  	[dreg:$0x1] =	wrdreg $0xFFFFFFFF  }
0xb3: {  	[dreg:$0x0] =	wrdreg $0x60  }
0xb4: {  	[dreg:$0x2] =	wrdreg s16  }
0xb5: {  	[dreg:$0x3] =	wrdreg s24  }
0xb6: {  	[dreg:$0x4] =	wrdreg $0x9  }
0xb7: {  	_ =	task.clear_ibuf [dreg:s7], $0x5FFFF;
	_ =	strace $0x90000046  }
0xb8: {  	s29 =	simm.s32 $0x9;
	_ =	strace $0x80000048  }
0xb9: {  	_ =	swait.ge [sflag:s29], $0x1  }
0xba: {  	[sflag:s29] =	ssyncadd.s32 $0xFFFFFFFF  }
0xbb: {  	_ =	strace $0x90000048  }
0xbc: {  	_ =	sfence  }
0xbd: {  	s30 =	sld [smem:$0x0];
	_ =	sdelay $0x2  }
0xbe: {  	s31 =	sshll.u32 s1, $0xD;
	s1 =	sshrl.u32 s1, $0x2  }
0xbf: {  	s3 =	sand.u32 $0x4000, s31;
	s1 =	sadd.s32 s1, s30  }
0xc0: {  	s0 =	sor.u32 s3, s0;
	s1 =	sshll.u32 s1, $0x11  }
0xc1: {  	s0 =	sor.u32 s1, s0  }
0xc2: {  	s0 =	sadd.s32 $0x8F2B, s0  }
0xc3: {  	[sflag:s0] =	ssyncadd.remote.s32 $0x1  }
0xc4: {  	_ =	sfence.sel $0xFFFF  }
0xc5: {  	[dreg:$0x0] =	wrdreg $0xFFFFFFFF;
	(pc) =	sbr.abs _section_cstart, $3  }
0xc6: {  	[dreg:$0x1] =	wrdreg $0xFFFFFFFF  }
0xc7: {  	_ =	task.clear_ibuf [dreg:s7], $0x2FFFF;
	_ =	strace $0x9FFFFFFF  }
0xc8: {  	(tm) =	ssettm $0x7FFFFFFF  }
0xc9: {  	_ =	shalt  }
tec
execute0_lowered:
.L_overlay_start_1:
0x0: {  	(tag) =	ssettag $0x1  }
0x1: {  	s2 =	rddreg [dreg:$0x0];
	s1 =	srdreg.scid  }
0x2: {  	s0 =	stileid.u32;
	s4 =	rddreg [dreg:$0x1]  }
0x3: {  	s8 =	simm.s32 $0x1400;
	s9 =	simm.s32 $0x2800;
	s10 =	simm.s32 $0x1  }
0x4: {  	s11 =	simm.s32 $0x7680;
	s5 =	sand.u32 $0x1, s1;
	s3 =	sshll.u32 s0, $0x1  }
0x5: {  	s12 =	simm.s32 $0x2;
	s1 =	rddreg [dreg:$0x2];
	s6 =	sor.u32 s5, s3  }
0x6: {  	s3 =	simm.s32 $0x0;
	s5 =	ssub.s32 $0x2, s5;
	s6 =	smul.u32 $0x272, s6  }
0x7: {  	s13 =	simm.s32 $0x0;
	[smem:$0x7FF] =	sst s3;
	s7 =	sshrl.u32 s5, $0x1  }
0x8: {  	_ =	strace $0x80000047;
	s7 =	ssub.s32 s5, s7;
	s4 =	sadd.s32 s4, s6  }
0x9: {  	s7 =	smax.u32 s7, $0x1;
	s5 =	sadd.s32 $0x5000, s4;
	s6 =	sadd.s32 $0xA000, s4  }
.LBB2_1:
0xa: {  	[tilespmem:s3], [sflag:$0x1] =	stream.linear.gather [hbm4b:s4+s3], $0x1390, $0x38;
	[tilespmem:$0x8A80] =	vst v63  }
0xb: {  	_ = 	snop  }
0xc: {  	[tilespmem:s8], [sflag:$0x1] =	stream.linear.gather [hbm4b:s5+s3], $0x1390, $0x38;
	[tilespmem:$0x8A80] =	vst v63  }
0xd: {  	_ = 	snop  }
0xe: {  	[tilespmem:s9], [sflag:$0x1] =	stream.linear.gather [hbm4b:s2+s3], $0x4E80, $0x38;
	[tilespmem:$0x8A80] =	vst v63  }
0xf: {  	_ =	swait.ge [sflag:s10], $0x1390  }
0x10: {  	[sflag:s10] =	ssyncset.done $0x0  }
0x11: {  	[sflag:s10] =	ssyncadd.s32 $0xFFFFEC70  }
0x12: {  	_ =	swait.ge [sflag:s10], $0x1390  }
0x13: {  	[sflag:s10] =	ssyncset.done $0x0  }
0x14: {  	[sflag:s10] =	ssyncadd.s32 $0xFFFFEC70  }
0x15: {  	_ =	swait.ge [sflag:s10], $0x4E80  }
0x16: {  	s14 =	simm.s32 $0xFFFFFFFC;
	s15 =	simm.s32 $0x76A0;
	[sflag:s10] =	ssyncset.done $0x0  }
0x17: {  	s16 =	simm.s32 $0x1420;
	s17 =	simm.s32 $0x20;
	[sflag:s10] =	ssyncadd.s32 $0xFFFFB180  }
.LBB2_2:
0x18: {  	v0 =	vld [tilespmem:s17+$0xFFFFFFE0]  }
0x19: {  	v1 =	vld [tilespmem:s16+$0xFFFFFFE0];
	_ =	sdelay $0x6  }
0x1a: {  	v0 =	vld.idx.msk [tilespmem:v0+s9+$0x0], $0xffff  }
0x1b: {  	v1 =	vld.idx.msk [tilespmem:v1+s9+$0x0], $0xffff;
	_ =	sdelay $0x4  }
0x1c: {  	v0 =	vadd.f32 v1, v0;
	_ =	sdelay $0x1  }
0x1d: {  	[tilespmem:s15+$0xFFFFFFE0] =	vst v0  }
0x1e: {  	v0 =	vld [tilespmem:s17+$0xFFFFFFF0]  }
0x1f: {  	v61 =	vld [tilespmem:s16+$0xFFFFFFF0];
	_ =	sdelay $0x6  }
0x20: {  	v0 =	vld.idx.msk [tilespmem:v0+s9+$0x0], $0xffff  }
0x21: {  	v1 =	vld.idx.msk [tilespmem:v61+s9+$0x0], $0xffff;
	_ =	sdelay $0x4  }
0x22: {  	v0 =	vadd.f32 v1, v0;
	_ =	sdelay $0x1  }
0x23: {  	[tilespmem:s15+$0xFFFFFFF0] =	vst v0  }
0x24: {  	v0 =	vld [tilespmem:s17+$0x0]  }
0x25: {  	v62 =	vld [tilespmem:s16+$0x0];
	_ =	sdelay $0x6  }
0x26: {  	v0 =	vld.idx.msk [tilespmem:v0+s9+$0x0], $0xffff  }
0x27: {  	v1 =	vld.idx.msk [tilespmem:v62+s9+$0x0], $0xffff;
	_ =	sdelay $0x4  }
0x28: {  	v0 =	vadd.f32 v1, v0;
	_ =	sdelay $0x1  }
0x29: {  	[tilespmem:s15+$0x0] =	vst v0  }
0x2a: {  	v0 =	vld [tilespmem:s17+$0x10]  }
0x2b: {  	v63 =	vld [tilespmem:s16+$0x10];
	_ =	sdelay $0x6  }
0x2c: {  	v0 =	vld.idx.msk [tilespmem:v0+s9+$0x0], $0xffff  }
0x2d: {  	v1 =	vld.idx.msk [tilespmem:v63+s9+$0x0], $0xffff  }
0x2e: {  	s14 =	sadd.s32 $0x4, s14  }
0x2f: {  	p0 =	slt.u32 s14, $0x134  }
.Ltmp0:
0x30: {  	_ = 	snop;
	(pc) =	sbr.rel @p0 .LBB2_2-.Ltmp0, $3  }
0x31: {  	_ = 	snop  }
0x32: {  	v0 =	vadd.f32 v1, v0;
	_ =	sdelay $0x1  }
0x33: {  	s16 =	sadd.s32 $0x40, s16;
	s17 =	sadd.s32 $0x40, s17;
	[tilespmem:s15+$0x10] =	vst v0;
	s15 =	sadd.s32 $0x40, s15  }
0x34: {  	v0 =	vld [tilespmem:$0x1380]  }
0x35: {  	v1 =	vld [tilespmem:$0x2780];
	_ =	sdelay $0x6  }
0x36: {  	v0 =	vld.idx.msk [tilespmem:v0+s9+$0x0], $0xffff  }
0x37: {  	v1 =	vld.idx.msk [tilespmem:v1+s9+$0x0], $0xffff;
	_ =	sdelay $0x4  }
0x38: {  	s13 =	sadd.s32 $0x1, s13;
	v0 =	vadd.f32 v1, v0  }
0x39: {  	p0 =	sne.s32 s13, s7  }
.Ltmp1:
0x3a: {  	[tilespmem:$0x8A00] =	vst v0;
	(pc) =	sbr.rel @p0 .LBB2_1-.Ltmp1, $4  }
0x3b: {  	[hbm4b:s6+s3] =	stream.linear.scatter [tilespmem:s11], [sflag:$0x2], $0x1390, $0x38;
	[tilespmem:$0x8A80] =	vst v63  }
0x3c: {  	_ =	swait.ge [sflag:s12], $0x1390  }
0x3d: {  	[sflag:s12] =	ssyncset.done $0x0  }
0x3e: {  	[sflag:s12] =	ssyncadd.s32 $0xFFFFEC70  }
0x3f: {  	_ =	sfence.sel $0x180000  }
0x40: {  	[bflag:$0x0] =	sbarrier.arrive $0xFFFF  }
0x41: {  	p0 =	sne.s32 s0, $0x0;
	_ =	strace $0x90000047  }
0x42: {  	s0 =	sadd.s32 @!p0 $0x100000, s1;
	[bflag:$0x2] =	sbarrier.arrive $0xFFFF  }
0x43: {  	[sflag:s0] =	ssyncadd.tile.s32 @!p0 $0x1;
	_ =	shalt  }
.Lfunc_end2:
_tile_overlayer_lowered:
.L_overlay_start_2:
0x44: {  	(tag) =	ssettag $0x2  }
0x45: {  	s0 =	rddreg [dreg:$0x0];
	s2 =	stileid.u32  }
0x46: {  	s1 =	rddreg [dreg:$0x1];
	p0 =	sne.s32 s2, $0x0  }
0x47: {  	s3 =	rddreg [dreg:$0x2];
	[bflag:$0x3] =	sbarrier.arrive $0xFFFF;
	s2 =	simm.s32 @!p0 $0x1C02  }
0x48: {  	[timem:s3], [sflag:s2] =	dma.local @!p0 [hbm:s0], s1  }
0x49: {  	s0 =	simm.s32 @!p0 $0x2  }
0x4a: {  	_ =	swait.ge @!p0 [sflag:s0], s1  }
0x4b: {  	s1 =	ssub.s32 @!p0 $0x0, s1;
	[sflag:s0] =	ssyncset.done @!p0 $0x0  }
0x4c: {  	[sflag:s0] =	ssyncadd.s32 @!p0 s1  }
0x4d: {  	[bflag:$0x3] =	sbarrier.arrive $0xFFFF  }
0x4e: {  	_ =	shalt  }

</sc_bundles>
